<compile_context>
chip_gen: v7x
topology: tpu7x:2x2x1
jax: 0.10.2.dev20260603
libtpu: 0.0.44.dev20260713+nightly
codegen_flags: <defaults>
</compile_context>

<pallas_src>
import functools

import jax
import jax.numpy as jnp
from jax.experimental import pallas as pl
from jax.experimental.pallas import tpu as pltpu

C = 384
H = 224
W = 224
S = 16
NH = H // S
NW = W // S
K = NH * NW
G = 16
KG = (NH + 2) * G
WIN = 3 * G
PB = S * W
NEG = -1e30
INV_SQRT_C = float(1.0 / (C ** 0.5))
F32 = jnp.float32
BF16 = jnp.bfloat16


def _ssn_kernel(x_ref, poolw_ref, mask_ref, wk_ref, wv_ref,
                pix16_ref, ks_ref, vs_ref,
                cent_scr, num_scr, den_scr, prev_scr):
    i = pl.program_id(0)

    @pl.when(i == 0)
    def _():
        cent_scr[pl.ds(0, G), :] = jnp.zeros((G, C), F32)
        cent_scr[pl.ds(KG - G, G), :] = jnp.zeros((G, C), F32)
        num_scr[...] = jnp.zeros((KG, C), F32)
        den_scr[...] = jnp.zeros((KG, 128), F32)

    @pl.when(i < NH)
    def _():
        xb = x_ref[...]
        rowsum = jnp.sum(xb, axis=1)
        poolT = jax.lax.dot_general(
            poolw_ref[...], rowsum, (((0,), (1,)), ((), ())),
            preferred_element_type=F32)
        cent_scr[pl.ds((i + 1) * G, G), :] = poolT

    @pl.when(i >= 1)
    def _():
        bh = i - 1
        centw = cent_scr[pl.ds(bh * G, WIN), :]
        prev = prev_scr[...]
        dots = jax.lax.dot_general(
            centw.astype(BF16), prev, (((1,), (0,)), ((), ())),
            preferred_element_type=F32)
        csq = jnp.sum(centw * centw, axis=1, keepdims=True)
        r = jax.lax.broadcasted_iota(jnp.int32, (WIN, 1), 0)
        kh = bh - 1 + r // G
        pen = jnp.where((kh >= 0) & (kh < NH), 0.0, -NEG)
        lm = 2.0 * dots - (csq + pen) + mask_ref[...]
        m = jnp.max(lm, axis=0, keepdims=True)
        e = jnp.exp(lm - m)
        den = jnp.sum(e, axis=0, keepdims=True)
        aff = e / den
        contrib = jax.lax.dot_general(
            aff.astype(BF16), prev, (((1,), (1,)), ((), ())),
            preferred_element_type=F32)
        num_scr[pl.ds(bh * G, WIN), :] += contrib
        den_scr[pl.ds(bh * G, WIN), :] += jnp.broadcast_to(
            jnp.sum(aff, axis=1, keepdims=True), (WIN, 128))

    @pl.when(i < NH)
    def _():
        pixm = x_ref[...].astype(BF16).reshape(C, PB)
        pix16_ref[0] = pixm
        prev_scr[...] = pixm

    @pl.when(i == NH)
    def _():
        cent1 = (num_scr[...] /
                 (den_scr[...][:, :1] + 1e-16)).astype(BF16)
        ks_ref[...] = jax.lax.dot_general(
            cent1, wk_ref[...].astype(BF16), (((1,), (0,)), ((), ())),
            preferred_element_type=F32).astype(BF16)
        vs_ref[...] = jax.lax.dot_general(
            cent1, wv_ref[...].astype(BF16), (((1,), (0,)), ((), ())),
            preferred_element_type=F32).astype(BF16)


def _attn_kernel(pix_ref, wq_ref, wo_ref, ks_ref, vs_ref, y_ref):
    pixj = pix_ref[0]
    qT = jax.lax.dot_general(
        wq_ref[...].astype(BF16), pixj, (((0,), (0,)), ((), ())),
        preferred_element_type=F32)
    logits = jax.lax.dot_general(
        ks_ref[...], qT.astype(BF16), (((1,), (0,)), ((), ())),
        preferred_element_type=F32) * INV_SQRT_C
    r = jax.lax.broadcasted_iota(jnp.int32, (KG, 1), 0)
    colmask = jnp.where((r >= G) & (r < KG - G) & (r % G < NW), 0.0, NEG)
    lm = logits + colmask
    m = jnp.max(lm, axis=0, keepdims=True)
    e = jnp.exp(lm - m)
    attnT = e / jnp.sum(e, axis=0, keepdims=True)
    outT = jax.lax.dot_general(
        vs_ref[...], attnT.astype(BF16), (((0,), (0,)), ((), ())),
        preferred_element_type=F32)
    projT = jax.lax.dot_general(
        wo_ref[...].astype(BF16), outT.astype(BF16), (((0,), (0,)), ((), ())),
        preferred_element_type=F32)
    y_ref[...] = (pixj.astype(F32) + projT).reshape(C, S, W)


@functools.partial(jax.jit, static_argnames=("interpret",))
def kernel(x, Wq, Wk, Wv, Wo, interpret=False):
    x3 = x.reshape(C, H, W)
    poolw = (jnp.arange(G)[:, None] ==
             jnp.arange(W)[None, :] // S).astype(F32) / (S * S)
    poolw = poolw.T
    rr = jnp.arange(WIN)[:, None]
    ll = jnp.arange(PB)[None, :]
    kw = rr % G
    bw = (ll % W) // S
    maskadd = jnp.where((jnp.abs(kw - bw) <= 1) & (kw < NW), 0.0, NEG
                        ).astype(F32)

    pix16, ks16, vs16 = pl.pallas_call(
        _ssn_kernel,
        grid=(NH + 1,),
        in_specs=[
            pl.BlockSpec((C, S, W), lambda i: (0, jnp.minimum(i, NH - 1), 0)),
            pl.BlockSpec((W, G), lambda i: (0, 0)),
            pl.BlockSpec((WIN, PB), lambda i: (0, 0)),
            pl.BlockSpec((C, C), lambda i: (0, 0)),
            pl.BlockSpec((C, C), lambda i: (0, 0)),
        ],
        out_specs=[
            pl.BlockSpec((1, C, PB), lambda i: (jnp.minimum(i, NH - 1), 0, 0)),
            pl.BlockSpec((KG, C), lambda i: (0, 0)),
            pl.BlockSpec((KG, C), lambda i: (0, 0)),
        ],
        out_shape=[
            jax.ShapeDtypeStruct((NH, C, PB), BF16),
            jax.ShapeDtypeStruct((KG, C), BF16),
            jax.ShapeDtypeStruct((KG, C), BF16),
        ],
        scratch_shapes=[
            pltpu.VMEM((KG, C), F32),
            pltpu.VMEM((KG, C), F32),
            pltpu.VMEM((KG, 128), F32),
            pltpu.VMEM((C, PB), BF16),
        ],
        interpret=interpret,
    )(x3, poolw, maskadd, Wk, Wv)

    y = pl.pallas_call(
        _attn_kernel,
        grid=(NH,),
        in_specs=[
            pl.BlockSpec((1, C, PB), lambda j: (j, 0, 0)),
            pl.BlockSpec((C, C), lambda j: (0, 0)),
            pl.BlockSpec((C, C), lambda j: (0, 0)),
            pl.BlockSpec((KG, C), lambda j: (0, 0)),
            pl.BlockSpec((KG, C), lambda j: (0, 0)),
        ],
        out_specs=pl.BlockSpec((C, S, W), lambda j: (0, j, 0)),
        out_shape=jax.ShapeDtypeStruct((C, H, W), F32),
        compiler_params=pltpu.CompilerParams(
            dimension_semantics=("arbitrary",)),
        interpret=interpret,
    )(pix16, Wq, Wo, ks16, vs16)

    return y.reshape(1, C, H, W)

# --- scband reference (transcript-rebuilt; emitter-appended) ---
"""Pipeline reference for scband-spin-87505663688950 (READ-ONLY COPY).

The authoritative reference and input builder live on the scoring server;
editing this copy changes nothing except your own understanding.
"""

import jax, jax.numpy as jnp
import numpy as np

DIM = 384
H = 224
W = 224
S = 16
NH = H // S
NW = W // S
K = NH * NW
N_ITER = 2
AFF_SM = 1.0


def setup_inputs(seed: int = 0):
    key = jax.random.key(seed)
    ks = jax.random.split(key, 5)
    sc = 1.0 / np.sqrt(DIM)
    x = jax.random.normal(ks[0], (1, DIM, H, W), dtype=jnp.float32)
    Wq = jax.random.normal(ks[1], (DIM, DIM), dtype=jnp.float32) * sc
    Wk = jax.random.normal(ks[2], (DIM, DIM), dtype=jnp.float32) * sc
    Wv = jax.random.normal(ks[3], (DIM, DIM), dtype=jnp.float32) * sc
    Wo = jax.random.normal(ks[4], (DIM, DIM), dtype=jnp.float32) * sc
    return {"x": x, "Wq": Wq, "Wk": Wk, "Wv": Wv, "Wo": Wo}


def _candidates():
    # per-pixel initial superpixel label and its 9 neighboring superpixels
    rows = np.arange(H) // S
    cols = np.arange(W) // S
    lrow = np.repeat(rows, W)
    lcol = np.tile(cols, H)
    offs = np.array([-1, 0, 1])
    dr = np.repeat(offs, 3)
    dc = np.tile(offs, 3)
    cr = lrow[:, None] + dr[None, :]
    cc = lcol[:, None] + dc[None, :]
    valid = (cr >= 0) & (cr < NH) & (cc >= 0) & (cc < NW)
    cand = np.clip(cr, 0, NH - 1) * NW + np.clip(cc, 0, NW - 1)
    return jnp.asarray(cand, dtype=jnp.int32), jnp.asarray(valid)


def _ssn_affinity(pix):
    # pix: (B, C, P). SSN-style soft superpixel assignment (ssn_iter),
    # affinity materialized densely as (B, K, P) like the sparse->to_dense in torch code.
    B, C, P = pix.shape
    cand, valid = _candidates()
    cent = pix.reshape(B, C, H, W).reshape(B, C, NH, S, NW, S).mean(axis=(3, 5)).reshape(B, C, K)
    pix_sq = jnp.sum(pix * pix, axis=1)
    cand_b = jnp.broadcast_to(cand[None], (B, P, 9))
    p_idx = jnp.arange(P)
    b_idx = jnp.arange(B)[:, None, None]
    A = None
    for it in range(N_ITER):
        cent_sq = jnp.sum(cent * cent, axis=1)
        dots = jnp.einsum('bcp,bck->bpk', pix, cent)
        dist_full = pix_sq[:, :, None] + cent_sq[:, None, :] - 2.0 * dots
        dist9 = jnp.take_along_axis(dist_full, cand_b, axis=2)
        logits = jnp.where(valid[None], -AFF_SM * dist9, -jnp.inf)
        aff9 = jax.nn.softmax(logits, axis=-1)
        aff9 = jnp.where(valid[None], aff9, 0.0)
        cand_safe = jnp.where(valid, cand, K)
        A_full = jnp.zeros((B, K + 1, P), dtype=pix.dtype)
        A_full = A_full.at[b_idx, jnp.broadcast_to(cand_safe[None], (B, P, 9)), p_idx[None, :, None]].add(aff9)
        A = A_full[:, :K, :]
        if it < N_ITER - 1:
            num = jnp.einsum('bkp,bcp->bck', A, pix)
            den = jnp.sum(A, axis=2) + 1e-16
            cent = num / den[:, None, :]
    return A, cent


def reference(x, Wq, Wk, Wv, Wo):
    B, C, Hh, Ww = x.shape
    P = Hh * Ww
    pix = x.reshape(B, C, P)
    A, cent = _ssn_affinity(pix)
    # ssn_iter runs under torch.no_grad
    A = jax.lax.stop_gradient(A)
    cent = jax.lax.stop_gradient(cent)
    s = jnp.transpose(cent, (0, 2, 1))  # (B, K, C) superpixel tokens
    q = jnp.einsum('bcp,cd->bpd', pix, Wq)
    k = jnp.einsum('bkc,cd->bkd', s, Wk)
    v = jnp.einsum('bkc,cd->bkd', s, Wv)
    attn = jax.nn.softmax(jnp.einsum('bpd,bkd->bpk', q, k) / np.sqrt(C), axis=-1)
    out = jnp.einsum('bpk,bkd->bpd', attn, v)
    out = jnp.einsum('bpd,dc->bpc', out, Wo)
    out = jnp.transpose(out, (0, 2, 1)).reshape(B, C, Hh, Ww)
    return x + out

if __name__ == "__main__":
    import jax
    _d = setup_inputs()
    print(jax.jit(kernel)(*tuple(_d.values())))

</pallas_src>

<mosaic_0001>
module attributes {stable_mosaic.version = 14 : i64} {
  func.func @_attn_kernel(%arg0: i32, %arg1: memref<1x384x3584xbf16, #tpu.memory_space<vmem>>, %arg2: memref<384x384xf32, #tpu.memory_space<vmem>>, %arg3: memref<384x384xf32, #tpu.memory_space<vmem>>, %arg4: memref<256x384xbf16, #tpu.memory_space<vmem>>, %arg5: memref<256x384xbf16, #tpu.memory_space<vmem>>, %arg6: memref<384x16x224xf32, #tpu.memory_space<vmem>>) attributes {dimension_semantics = [#tpu.dimension_semantics<arbitrary>], iteration_bounds = array<i64: 14>, scalar_prefetch = 0 : i64, scratch_operands = 0 : i64, tpu.core_type = #tpu.core_type<tc>, window_params = [{transform_indices = @transform_0, window_bounds = array<i64: 1, 384, 3584>}, {pipeline_mode = #tpu.pipeline_mode<synchronous>, transform_indices = @transform_1, window_bounds = array<i64: 384, 384>}, {pipeline_mode = #tpu.pipeline_mode<synchronous>, transform_indices = @transform_2, window_bounds = array<i64: 384, 384>}, {pipeline_mode = #tpu.pipeline_mode<synchronous>, transform_indices = @transform_3, window_bounds = array<i64: 256, 384>}, {pipeline_mode = #tpu.pipeline_mode<synchronous>, transform_indices = @transform_4, window_bounds = array<i64: 256, 384>}, {transform_indices = @transform_5, window_bounds = array<i64: 384, 16, 224>}]} {
    %get3A = arith.constant 0 : index
    %get3A_0 = arith.constant 0 : index
    %get3A_1 = arith.constant 0 : index
    %get3A_2 = vector.load %arg1[%get3A, %get3A_0, %get3A_1] : memref<1x384x3584xbf16, #tpu.memory_space<vmem>>, vector<1x384x3584xbf16>
    %get3A_3 = vector.shape_cast %get3A_2 : vector<1x384x3584xbf16> to vector<384x3584xbf16>
    %get3A_4 = arith.constant 0 : index
    %get3A_5 = arith.constant 0 : index
    %get3A_6 = vector.load %arg2[%get3A_4, %get3A_5] : memref<384x384xf32, #tpu.memory_space<vmem>>, vector<384x384xf32>
    %convert_element_type3A = arith.truncf %get3A_6 : vector<384x384xf32> to vector<384x384xbf16>
    %dot_general3A = arith.constant dense<0.000000e+00> : vector<384x3584xf32>
    %dot_general3A_7 = tpu.matmul %convert_element_type3A, %get3A_3, %dot_general3A {dimension_numbers = #tpu.dot_dimension_numbers<[0], [0], [1], [1], [0, 1, 1, 1], [], []>, transpose_lhs_hint = false} : vector<384x384xbf16>, vector<384x3584xbf16>, vector<384x3584xf32> -> vector<384x3584xf32>
    %get3A_8 = arith.constant 0 : index
    %get3A_9 = arith.constant 0 : index
    %get3A_10 = vector.load %arg4[%get3A_8, %get3A_9] : memref<256x384xbf16, #tpu.memory_space<vmem>>, vector<256x384xbf16>
    %convert_element_type3A_11 = arith.truncf %dot_general3A_7 : vector<384x3584xf32> to vector<384x3584xbf16>
    %dot_general3A_12 = arith.constant dense<0.000000e+00> : vector<256x3584xf32>
    %dot_general3A_13 = tpu.matmul %get3A_10, %convert_element_type3A_11, %dot_general3A_12 {dimension_numbers = #tpu.dot_dimension_numbers<[1], [0], [0], [1], [0, 0, 1, 1], [], []>, transpose_lhs_hint = false} : vector<256x384xbf16>, vector<384x3584xbf16>, vector<256x3584xf32> -> vector<256x3584xf32>
    %mul3A = arith.constant 0.0510310382 : f32
    %mul3A_14 = vector.broadcast %mul3A : f32 to vector<256x3584xf32>
    %mul3A_15 = arith.mulf %dot_general3A_13, %mul3A_14 : vector<256x3584xf32>
    %iota3A = tpu.iota {dimensions = array<i32: 0>} : vector<256x1xi32>
    %ge3A = arith.constant 16 : i32
    %ge3A_16 = vector.broadcast %ge3A : i32 to vector<256x1xi32>
    %ge3A_17 = arith.cmpi sge, %iota3A, %ge3A_16 : vector<256x1xi32>
    %lt3A = arith.constant 240 : i32
    %lt3A_18 = vector.broadcast %lt3A : i32 to vector<256x1xi32>
    %lt3A_19 = arith.cmpi slt, %iota3A, %lt3A_18 : vector<256x1xi32>
    %and3A = arith.andi %ge3A_17, %lt3A_19 : vector<256x1xi1>
    %jit3A = arith.constant 16 : i32
    %eq3A = arith.constant 0 : i32
    %eq3A_20 = arith.cmpi eq, %jit3A, %eq3A : i32
    %jit3A_21 = arith.constant 1 : i32
    %select_n3A = arith.select %eq3A_20, %jit3A_21, %jit3A : i32
    %rem3A = vector.broadcast %select_n3A : i32 to vector<256x1xi32>
    %rem3A_22 = arith.remsi %iota3A, %rem3A : vector<256x1xi32>
    %ne3A = arith.constant 0 : i32
    %ne3A_23 = vector.broadcast %ne3A : i32 to vector<256x1xi32>
    %ne3A_24 = arith.cmpi ne, %rem3A_22, %ne3A_23 : vector<256x1xi32>
    %lt3A_25 = arith.constant 0 : i32
    %lt3A_26 = vector.broadcast %lt3A_25 : i32 to vector<256x1xi32>
    %lt3A_27 = arith.cmpi slt, %rem3A_22, %lt3A_26 : vector<256x1xi32>
    %lt3A_28 = arith.constant 0 : i32
    %lt3A_29 = arith.cmpi slt, %select_n3A, %lt3A_28 : i32
    %ne3A_30 = vector.broadcast %lt3A_29 : i1 to vector<256x1xi1>
    %ne3A_31 = vector.broadcast %ne3A_30 : vector<256x1xi1> to vector<256x1xi1>
    %ne3A_32 = arith.xori %lt3A_27, %ne3A_31 : vector<256x1xi1>
    %and3A_33 = arith.andi %ne3A_32, %ne3A_24 : vector<256x1xi1>
    %add3A = vector.broadcast %select_n3A : i32 to vector<256x1xi32>
    %add3A_34 = arith.addi %rem3A_22, %add3A : vector<256x1xi32>
    %select_n3A_35 = arith.select %and3A_33, %add3A_34, %rem3A_22 : vector<256x1xi1>, vector<256x1xi32>
    %lt3A_36 = arith.constant 14 : i32
    %lt3A_37 = vector.broadcast %lt3A_36 : i32 to vector<256x1xi32>
    %lt3A_38 = arith.cmpi slt, %select_n3A_35, %lt3A_37 : vector<256x1xi32>
    %and3A_39 = arith.andi %and3A, %lt3A_38 : vector<256x1xi1>
    %jit3A_40 = arith.constant 0.000000e+00 : f32
    %jit3A_41 = arith.constant -1.000000e+30 : f32
    %broadcast_in_dim3A = vector.broadcast %jit3A_40 : f32 to vector<256x1xf32>
    %broadcast_in_dim3A_42 = vector.broadcast %jit3A_41 : f32 to vector<256x1xf32>
    %select_n3A_43 = arith.select %and3A_39, %broadcast_in_dim3A, %broadcast_in_dim3A_42 : vector<256x1xi1>, vector<256x1xf32>
    %add3A_44 = vector.broadcast %select_n3A_43 : vector<256x1xf32> to vector<256x3584xf32>
    %add3A_45 = arith.addf %mul3A_15, %add3A_44 : vector<256x3584xf32>
    %reduce_max3A = arith.constant dense<0xFF800000> : vector<3584xf32>
    %reduce_max3A_46 = vector.multi_reduction <maximumf>, %add3A_45, %reduce_max3A [0] : vector<256x3584xf32> to vector<3584xf32>
    %broadcast_in_dim3A_47 = vector.shape_cast %reduce_max3A_46 : vector<3584xf32> to vector<1x3584xf32>
    %sub3A = vector.broadcast %broadcast_in_dim3A_47 : vector<1x3584xf32> to vector<256x3584xf32>
    %sub3A_48 = arith.subf %add3A_45, %sub3A : vector<256x3584xf32>
    %exp3A = math.exp %sub3A_48 : vector<256x3584xf32>
    %reduce_sum3A = arith.constant dense<0.000000e+00> : vector<3584xf32>
    %reduce_sum3A_49 = vector.multi_reduction <add>, %exp3A, %reduce_sum3A [0] : vector<256x3584xf32> to vector<3584xf32>
    %broadcast_in_dim3A_50 = vector.shape_cast %reduce_sum3A_49 : vector<3584xf32> to vector<1x3584xf32>
    %div3A = vector.broadcast %broadcast_in_dim3A_50 : vector<1x3584xf32> to vector<256x3584xf32>
    %div3A_51 = arith.divf %exp3A, %div3A : vector<256x3584xf32>
    %get3A_52 = arith.constant 0 : index
    %get3A_53 = arith.constant 0 : index
    %get3A_54 = vector.load %arg5[%get3A_52, %get3A_53] : memref<256x384xbf16, #tpu.memory_space<vmem>>, vector<256x384xbf16>
    %convert_element_type3A_55 = arith.truncf %div3A_51 : vector<256x3584xf32> to vector<256x3584xbf16>
    %dot_general3A_56 = arith.constant dense<0.000000e+00> : vector<384x3584xf32>
    %dot_general3A_57 = tpu.matmul %get3A_54, %convert_element_type3A_55, %dot_general3A_56 {dimension_numbers = #tpu.dot_dimension_numbers<[0], [0], [1], [1], [0, 1, 1, 1], [], []>, transpose_lhs_hint = false} : vector<256x384xbf16>, vector<256x3584xbf16>, vector<384x3584xf32> -> vector<384x3584xf32>
    %get3A_58 = arith.constant 0 : index
    %get3A_59 = arith.constant 0 : index
    %get3A_60 = vector.load %arg3[%get3A_58, %get3A_59] : memref<384x384xf32, #tpu.memory_space<vmem>>, vector<384x384xf32>
    %convert_element_type3A_61 = arith.truncf %get3A_60 : vector<384x384xf32> to vector<384x384xbf16>
    %convert_element_type3A_62 = arith.truncf %dot_general3A_57 : vector<384x3584xf32> to vector<384x3584xbf16>
    %dot_general3A_63 = arith.constant dense<0.000000e+00> : vector<384x3584xf32>
    %dot_general3A_64 = tpu.matmul %convert_element_type3A_61, %convert_element_type3A_62, %dot_general3A_63 {dimension_numbers = #tpu.dot_dimension_numbers<[0], [0], [1], [1], [0, 1, 1, 1], [], []>, transpose_lhs_hint = false} : vector<384x384xbf16>, vector<384x3584xbf16>, vector<384x3584xf32> -> vector<384x3584xf32>
    %convert_element_type3A_65 = arith.extf %get3A_3 : vector<384x3584xbf16> to vector<384x3584xf32>
    %add3A_66 = arith.addf %convert_element_type3A_65, %dot_general3A_64 : vector<384x3584xf32>
    %reshape3A = vector.shape_cast %add3A_66 : vector<384x3584xf32> to vector<384x16x224xf32>
    %swap3A = arith.constant 0 : index
    %swap3A_67 = arith.constant 0 : index
    %swap3A_68 = arith.constant 0 : index
    %swap3A_69 = vector.load %arg6[%swap3A, %swap3A_67, %swap3A_68] : memref<384x16x224xf32, #tpu.memory_space<vmem>>, vector<384x16x224xf32>
    tpu.vector_store %arg6[%swap3A, %swap3A_67, %swap3A_68], %reshape3A {strides = array<i32>} : memref<384x16x224xf32, #tpu.memory_space<vmem>>, vector<384x16x224xf32>,
    return
  }
  func.func @transform_0(%arg0: i32) -> (i32, i32, i32) {
    %c0_i32 = arith.constant 0 : i32
    %c0_i32_0 = arith.constant 0 : i32
    %c0_i32_1 = arith.constant 0 : i32
    return %arg0, %c0_i32, %c0_i32_0 : i32, i32, i32
  }
  func.func @transform_1(%arg0: i32) -> (i32, i32) {
    %c0_i32 = arith.constant 0 : i32
    %c0_i32_0 = arith.constant 0 : i32
    %c0_i32_1 = arith.constant 0 : i32
    return %c0_i32, %c0_i32_0 : i32, i32
  }
  func.func @transform_2(%arg0: i32) -> (i32, i32) {
    %c0_i32 = arith.constant 0 : i32
    %c0_i32_0 = arith.constant 0 : i32
    %c0_i32_1 = arith.constant 0 : i32
    return %c0_i32, %c0_i32_0 : i32, i32
  }
  func.func @transform_3(%arg0: i32) -> (i32, i32) {
    %c0_i32 = arith.constant 0 : i32
    %c0_i32_0 = arith.constant 0 : i32
    %c0_i32_1 = arith.constant 0 : i32
    return %c0_i32, %c0_i32_0 : i32, i32
  }
  func.func @transform_4(%arg0: i32) -> (i32, i32) {
    %c0_i32 = arith.constant 0 : i32
    %c0_i32_0 = arith.constant 0 : i32
    %c0_i32_1 = arith.constant 0 : i32
    return %c0_i32, %c0_i32_0 : i32, i32
  }
  func.func @transform_5(%arg0: i32) -> (i32, i32, i32) {
    %c0_i32 = arith.constant 0 : i32
    %c0_i32_0 = arith.constant 0 : i32
    %c0_i32_1 = arith.constant 0 : i32
    return %c0_i32, %arg0, %c0_i32_0 : i32, i32, i32
  }
}

module attributes {stable_mosaic.version = 14 : i64} {
  func.func @_ssn_kernel(%arg0: i32, %arg1: memref<384x16x224xf32, #tpu.memory_space<vmem>>, %arg2: memref<224x16xf32, #tpu.memory_space<vmem>>, %arg3: memref<48x3584xf32, #tpu.memory_space<vmem>>, %arg4: memref<384x384xf32, #tpu.memory_space<vmem>>, %arg5: memref<384x384xf32, #tpu.memory_space<vmem>>, %arg6: memref<1x384x3584xbf16, #tpu.memory_space<vmem>>, %arg7: memref<256x384xbf16, #tpu.memory_space<vmem>>, %arg8: memref<256x384xbf16, #tpu.memory_space<vmem>>, %arg9: memref<256x384xf32, #tpu.memory_space<vmem>>, %arg10: memref<256x384xf32, #tpu.memory_space<vmem>>, %arg11: memref<256x128xf32, #tpu.memory_space<vmem>>, %arg12: memref<384x3584xbf16, #tpu.memory_space<vmem>>) attributes {dimension_semantics = [#tpu.dimension_semantics<arbitrary>], iteration_bounds = array<i64: 15>, scalar_prefetch = 0 : i64, scratch_operands = 4 : i64, tpu.core_type = #tpu.core_type<tc>, window_params = [{transform_indices = @transform_0, window_bounds = array<i64: 384, 16, 224>}, {pipeline_mode = #tpu.pipeline_mode<synchronous>, transform_indices = @transform_1, window_bounds = array<i64: 224, 16>}, {pipeline_mode = #tpu.pipeline_mode<synchronous>, transform_indices = @transform_2, window_bounds = array<i64: 48, 3584>}, {pipeline_mode = #tpu.pipeline_mode<synchronous>, transform_indices = @transform_3, window_bounds = array<i64: 384, 384>}, {pipeline_mode = #tpu.pipeline_mode<synchronous>, transform_indices = @transform_4, window_bounds = array<i64: 384, 384>}, {transform_indices = @transform_5, window_bounds = array<i64: 1, 384, 3584>}, {pipeline_mode = #tpu.pipeline_mode<synchronous>, transform_indices = @transform_6, window_bounds = array<i64: 256, 384>}, {pipeline_mode = #tpu.pipeline_mode<synchronous>, transform_indices = @transform_7, window_bounds = array<i64: 256, 384>}]} {
    %eq3A = arith.constant 0 : i32
    %eq3A_0 = arith.cmpi eq, %arg0, %eq3A : i32
    %convert_element_type3A = arith.extui %eq3A_0 : i1 to i32
    %cond3A = arith.constant 0 : i32
    %cond3A_1 = arith.cmpi ne, %convert_element_type3A, %cond3A : i32
    scf.if %cond3A_1 {
      %broadcast_in_dim3A = arith.constant 0.000000e+00 : f32
      %broadcast_in_dim3A_20 = vector.broadcast %broadcast_in_dim3A : f32 to vector<16x384xf32>
      %swap3A = arith.constant 0 : index
      %swap3A_21 = arith.constant 0 : index
      %swap3A_22 = vector.load %arg9[%swap3A, %swap3A_21] : memref<256x384xf32, #tpu.memory_space<vmem>>, vector<16x384xf32>
      tpu.vector_store %arg9[%swap3A, %swap3A_21], %broadcast_in_dim3A_20 {strides = array<i32>} : memref<256x384xf32, #tpu.memory_space<vmem>>, vector<16x384xf32>,
      %broadcast_in_dim3A_23 = arith.constant 0.000000e+00 : f32
      %broadcast_in_dim3A_24 = vector.broadcast %broadcast_in_dim3A_23 : f32 to vector<16x384xf32>
      %swap3A_25 = arith.constant 240 : index
      %swap3A_26 = arith.constant 0 : index
      %swap3A_27 = vector.load %arg9[%swap3A_25, %swap3A_26] : memref<256x384xf32, #tpu.memory_space<vmem>>, vector<16x384xf32>
      tpu.vector_store %arg9[%swap3A_25, %swap3A_26], %broadcast_in_dim3A_24 {strides = array<i32>} : memref<256x384xf32, #tpu.memory_space<vmem>>, vector<16x384xf32>,
      %broadcast_in_dim3A_28 = arith.constant 0.000000e+00 : f32
      %broadcast_in_dim3A_29 = vector.broadcast %broadcast_in_dim3A_28 : f32 to vector<256x384xf32>
      %swap3A_30 = arith.constant 0 : index
      %swap3A_31 = arith.constant 0 : index
      %swap3A_32 = vector.load %arg10[%swap3A_30, %swap3A_31] : memref<256x384xf32, #tpu.memory_space<vmem>>, vector<256x384xf32>
      tpu.vector_store %arg10[%swap3A_30, %swap3A_31], %broadcast_in_dim3A_29 {strides = array<i32>} : memref<256x384xf32, #tpu.memory_space<vmem>>, vector<256x384xf32>,
      %broadcast_in_dim3A_33 = arith.constant 0.000000e+00 : f32
      %broadcast_in_dim3A_34 = vector.broadcast %broadcast_in_dim3A_33 : f32 to vector<256x128xf32>
      %swap3A_35 = arith.constant 0 : index
      %swap3A_36 = arith.constant 0 : index
      %swap3A_37 = vector.load %arg11[%swap3A_35, %swap3A_36] : memref<256x128xf32, #tpu.memory_space<vmem>>, vector<256x128xf32>
      tpu.vector_store %arg11[%swap3A_35, %swap3A_36], %broadcast_in_dim3A_34 {strides = array<i32>} : memref<256x128xf32, #tpu.memory_space<vmem>>, vector<256x128xf32>,
    } else {
    }
    %lt3A = arith.constant 14 : i32
    %lt3A_2 = arith.cmpi slt, %arg0, %lt3A : i32
    %convert_element_type3A_3 = arith.extui %lt3A_2 : i1 to i32
    %cond3A_4 = arith.constant 0 : i32
    %cond3A_5 = arith.cmpi ne, %convert_element_type3A_3, %cond3A_4 : i32
    scf.if %cond3A_5 {
      %get3A = arith.constant 0 : index
      %get3A_20 = arith.constant 0 : index
      %get3A_21 = arith.constant 0 : index
      %get3A_22 = vector.load %arg1[%get3A, %get3A_20, %get3A_21] : memref<384x16x224xf32, #tpu.memory_space<vmem>>, vector<384x16x224xf32>
      %reduce_sum3A = arith.constant dense<0.000000e+00> : vector<384x224xf32>
      %reduce_sum3A_23 = vector.multi_reduction <add>, %get3A_22, %reduce_sum3A [1] : vector<384x16x224xf32> to vector<384x224xf32>
      %get3A_24 = arith.constant 0 : index
      %get3A_25 = arith.constant 0 : index
      %get3A_26 = vector.load %arg2[%get3A_24, %get3A_25] : memref<224x16xf32, #tpu.memory_space<vmem>>, vector<224x16xf32>
      %dot_general3A = arith.constant dense<0.000000e+00> : vector<16x384xf32>
      %dot_general3A_27 = tpu.matmul %get3A_26, %reduce_sum3A_23, %dot_general3A {dimension_numbers = #tpu.dot_dimension_numbers<[0], [1], [1], [0], [0, 1, 1, 0], [], []>, transpose_lhs_hint = false} : vector<224x16xf32>, vector<384x224xf32>, vector<16x384xf32> -> vector<16x384xf32>
      %add3A = arith.constant 1 : i32
      %add3A_28 = arith.addi %arg0, %add3A : i32
      %mul3A = arith.constant 16 : i32
      %mul3A_29 = arith.muli %add3A_28, %mul3A : i32
      %swap3A = arith.index_cast %mul3A_29 : i32 to index
      %swap3A_30 = arith.constant 0 : index
      %swap3A_31 = vector.load %arg9[%swap3A, %swap3A_30] : memref<256x384xf32, #tpu.memory_space<vmem>>, vector<16x384xf32>
      tpu.vector_store %arg9[%swap3A, %swap3A_30], %dot_general3A_27 {strides = array<i32>} : memref<256x384xf32, #tpu.memory_space<vmem>>, vector<16x384xf32>,
    } else {
    }
    %ge3A = arith.constant 1 : i32
    %ge3A_6 = arith.cmpi sge, %arg0, %ge3A : i32
    %convert_element_type3A_7 = arith.extui %ge3A_6 : i1 to i32
    %cond3A_8 = arith.constant 0 : i32
    %cond3A_9 = arith.cmpi ne, %convert_element_type3A_7, %cond3A_8 : i32
    scf.if %cond3A_9 {
      %sub3A = arith.constant 1 : i32
      %sub3A_20 = arith.subi %arg0, %sub3A : i32
      %mul3A = arith.constant 16 : i32
      %mul3A_21 = arith.muli %sub3A_20, %mul3A : i32
      %get3A = arith.index_cast %mul3A_21 : i32 to index
      %get3A_22 = arith.constant 0 : index
      %get3A_23 = vector.load %arg9[%get3A, %get3A_22] : memref<256x384xf32, #tpu.memory_space<vmem>>, vector<48x384xf32>
      %get3A_24 = arith.constant 0 : index
      %get3A_25 = arith.constant 0 : index
      %get3A_26 = vector.load %arg12[%get3A_24, %get3A_25] : memref<384x3584xbf16, #tpu.memory_space<vmem>>, vector<384x3584xbf16>
      %convert_element_type3A_27 = arith.truncf %get3A_23 : vector<48x384xf32> to vector<48x384xbf16>
      %dot_general3A = arith.constant dense<0.000000e+00> : vector<48x3584xf32>
      %dot_general3A_28 = tpu.matmul %convert_element_type3A_27, %get3A_26, %dot_general3A {dimension_numbers = #tpu.dot_dimension_numbers<[1], [0], [0], [1], [0, 0, 1, 1], [], []>, transpose_lhs_hint = false} : vector<48x384xbf16>, vector<384x3584xbf16>, vector<48x3584xf32> -> vector<48x3584xf32>
      %mul3A_29 = arith.mulf %get3A_23, %get3A_23 : vector<48x384xf32>
      %reduce_sum3A = arith.constant dense<0.000000e+00> : vector<48xf32>
      %reduce_sum3A_30 = vector.multi_reduction <add>, %mul3A_29, %reduce_sum3A [1] : vector<48x384xf32> to vector<48xf32>
      %broadcast_in_dim3A = vector.shape_cast %reduce_sum3A_30 : vector<48xf32> to vector<48x1xf32>
      %iota3A = tpu.iota {dimensions = array<i32: 0>} : vector<48x1xi32>
      %sub3A_31 = arith.constant 1 : i32
      %sub3A_32 = arith.subi %sub3A_20, %sub3A_31 : i32
      %jit3A = arith.constant 16 : i32
      %div3A = vector.broadcast %jit3A : i32 to vector<48x1xi32>
      %div3A_33 = arith.divsi %iota3A, %div3A : vector<48x1xi32>
      %sign3A = arith.constant 0 : i32
      %sign3A_34 = vector.broadcast %sign3A : i32 to vector<48x1xi32>
      %sign3A_35 = arith.cmpi sgt, %iota3A, %sign3A_34 : vector<48x1xi32>
      %sign3A_36 = arith.extui %sign3A_35 : vector<48x1xi1> to vector<48x1xi32>
      %sign3A_37 = arith.constant 0 : i32
      %sign3A_38 = vector.broadcast %sign3A_37 : i32 to vector<48x1xi32>
      %sign3A_39 = arith.cmpi slt, %iota3A, %sign3A_38 : vector<48x1xi32>
      %sign3A_40 = arith.extui %sign3A_39 : vector<48x1xi1> to vector<48x1xi32>
      %sign3A_41 = arith.subi %sign3A_36, %sign3A_40 : vector<48x1xi32>
      %sign3A_42 = arith.constant 0 : i32
      %sign3A_43 = arith.cmpi sgt, %jit3A, %sign3A_42 : i32
      %sign3A_44 = arith.extui %sign3A_43 : i1 to i32
      %sign3A_45 = arith.constant 0 : i32
      %sign3A_46 = arith.cmpi slt, %jit3A, %sign3A_45 : i32
      %sign3A_47 = arith.extui %sign3A_46 : i1 to i32
      %sign3A_48 = arith.subi %sign3A_44, %sign3A_47 : i32
      %ne3A = vector.broadcast %sign3A_48 : i32 to vector<48x1xi32>
      %ne3A_49 = arith.cmpi ne, %sign3A_41, %ne3A : vector<48x1xi32>
      %rem3A = vector.broadcast %jit3A : i32 to vector<48x1xi32>
      %rem3A_50 = arith.remsi %iota3A, %rem3A : vector<48x1xi32>
      %ne3A_51 = arith.constant 0 : i32
      %ne3A_52 = vector.broadcast %ne3A_51 : i32 to vector<48x1xi32>
      %ne3A_53 = arith.cmpi ne, %rem3A_50, %ne3A_52 : vector<48x1xi32>
      %and3A = arith.andi %ne3A_49, %ne3A_53 : vector<48x1xi1>
      %sub3A_54 = arith.constant 1 : i32
      %sub3A_55 = vector.broadcast %sub3A_54 : i32 to vector<48x1xi32>
      %sub3A_56 = arith.subi %div3A_33, %sub3A_55 : vector<48x1xi32>
      %select_n3A = arith.select %and3A, %sub3A_56, %div3A_33 : vector<48x1xi1>, vector<48x1xi32>
      %add3A = vector.broadcast %sub3A_32 : i32 to vector<48x1xi32>
      %add3A_57 = arith.addi %add3A, %select_n3A : vector<48x1xi32>
      %ge3A_58 = arith.constant 0 : i32
      %ge3A_59 = vector.broadcast %ge3A_58 : i32 to vector<48x1xi32>
      %ge3A_60 = arith.cmpi sge, %add3A_57, %ge3A_59 : vector<48x1xi32>
      %lt3A_61 = arith.constant 14 : i32
      %lt3A_62 = vector.broadcast %lt3A_61 : i32 to vector<48x1xi32>
      %lt3A_63 = arith.cmpi slt, %add3A_57, %lt3A_62 : vector<48x1xi32>
      %and3A_64 = arith.andi %ge3A_60, %lt3A_63 : vector<48x1xi1>
      %jit3A_65 = arith.constant 0.000000e+00 : f32
      %jit3A_66 = arith.constant 1.000000e+30 : f32
      %broadcast_in_dim3A_67 = vector.broadcast %jit3A_65 : f32 to vector<48x1xf32>
      %broadcast_in_dim3A_68 = vector.broadcast %jit3A_66 : f32 to vector<48x1xf32>
      %select_n3A_69 = arith.select %and3A_64, %broadcast_in_dim3A_67, %broadcast_in_dim3A_68 : vector<48x1xi1>, vector<48x1xf32>
      %mul3A_70 = arith.constant 2.000000e+00 : f32
      %mul3A_71 = vector.broadcast %mul3A_70 : f32 to vector<48x3584xf32>
      %mul3A_72 = arith.mulf %mul3A_71, %dot_general3A_28 : vector<48x3584xf32>
      %add3A_73 = arith.addf %broadcast_in_dim3A, %select_n3A_69 : vector<48x1xf32>
      %sub3A_74 = vector.broadcast %add3A_73 : vector<48x1xf32> to vector<48x3584xf32>
      %sub3A_75 = arith.subf %mul3A_72, %sub3A_74 : vector<48x3584xf32>
      %get3A_76 = arith.constant 0 : index
      %get3A_77 = arith.constant 0 : index
      %get3A_78 = vector.load %arg3[%get3A_76, %get3A_77] : memref<48x3584xf32, #tpu.memory_space<vmem>>, vector<48x3584xf32>
      %add3A_79 = arith.addf %sub3A_75, %get3A_78 : vector<48x3584xf32>
      %reduce_max3A = arith.constant dense<0xFF800000> : vector<3584xf32>
      %reduce_max3A_80 = vector.multi_reduction <maximumf>, %add3A_79, %reduce_max3A [0] : vector<48x3584xf32> to vector<3584xf32>
      %broadcast_in_dim3A_81 = vector.shape_cast %reduce_max3A_80 : vector<3584xf32> to vector<1x3584xf32>
      %sub3A_82 = vector.broadcast %broadcast_in_dim3A_81 : vector<1x3584xf32> to vector<48x3584xf32>
      %sub3A_83 = arith.subf %add3A_79, %sub3A_82 : vector<48x3584xf32>
      %exp3A = math.exp %sub3A_83 : vector<48x3584xf32>
      %reduce_sum3A_84 = arith.constant dense<0.000000e+00> : vector<3584xf32>
      %reduce_sum3A_85 = vector.multi_reduction <add>, %exp3A, %reduce_sum3A_84 [0] : vector<48x3584xf32> to vector<3584xf32>
      %broadcast_in_dim3A_86 = vector.shape_cast %reduce_sum3A_85 : vector<3584xf32> to vector<1x3584xf32>
      %div3A_87 = vector.broadcast %broadcast_in_dim3A_86 : vector<1x3584xf32> to vector<48x3584xf32>
      %div3A_88 = arith.divf %exp3A, %div3A_87 : vector<48x3584xf32>
      %convert_element_type3A_89 = arith.truncf %div3A_88 : vector<48x3584xf32> to vector<48x3584xbf16>
      %dot_general3A_90 = arith.constant dense<0.000000e+00> : vector<48x384xf32>
      %dot_general3A_91 = tpu.matmul %convert_element_type3A_89, %get3A_26, %dot_general3A_90 {dimension_numbers = #tpu.dot_dimension_numbers<[1], [1], [0], [0], [0, 0, 1, 0], [], []>, transpose_lhs_hint = false} : vector<48x3584xbf16>, vector<384x3584xbf16>, vector<48x384xf32> -> vector<48x384xf32>
      %mul3A_92 = arith.constant 16 : i32
      %mul3A_93 = arith.muli %sub3A_20, %mul3A_92 : i32
      %get3A_94 = arith.index_cast %mul3A_93 : i32 to index
      %get3A_95 = arith.constant 0 : index
      %get3A_96 = vector.load %arg10[%get3A_94, %get3A_95] : memref<256x384xf32, #tpu.memory_space<vmem>>, vector<48x384xf32>
      %add3A_97 = arith.addf %get3A_96, %dot_general3A_91 : vector<48x384xf32>
      %swap3A = arith.index_cast %mul3A_93 : i32 to index
      %swap3A_98 = arith.constant 0 : index
      %swap3A_99 = vector.load %arg10[%swap3A, %swap3A_98] : memref<256x384xf32, #tpu.memory_space<vmem>>, vector<48x384xf32>
      tpu.vector_store %arg10[%swap3A, %swap3A_98], %add3A_97 {strides = array<i32>} : memref<256x384xf32, #tpu.memory_space<vmem>>, vector<48x384xf32>,
      %mul3A_100 = arith.constant 16 : i32
      %mul3A_101 = arith.muli %sub3A_20, %mul3A_100 : i32
      %get3A_102 = arith.index_cast %mul3A_101 : i32 to index
      %get3A_103 = arith.constant 0 : index
      %get3A_104 = vector.load %arg11[%get3A_102, %get3A_103] : memref<256x128xf32, #tpu.memory_space<vmem>>, vector<48x128xf32>
      %reduce_sum3A_105 = arith.constant dense<0.000000e+00> : vector<48xf32>
      %reduce_sum3A_106 = vector.multi_reduction <add>, %div3A_88, %reduce_sum3A_105 [1] : vector<48x3584xf32> to vector<48xf32>
      %broadcast_in_dim3A_107 = vector.shape_cast %reduce_sum3A_106 : vector<48xf32> to vector<48x1xf32>
      %broadcast_in_dim3A_108 = vector.shape_cast %broadcast_in_dim3A_107 : vector<48x1xf32> to vector<48x1xf32>
      %broadcast_in_dim3A_109 = vector.broadcast %broadcast_in_dim3A_108 : vector<48x1xf32> to vector<48x128xf32>
      %add3A_110 = arith.addf %get3A_104, %broadcast_in_dim3A_109 : vector<48x128xf32>
      %swap3A_111 = arith.index_cast %mul3A_101 : i32 to index
      %swap3A_112 = arith.constant 0 : index
      %swap3A_113 = vector.load %arg11[%swap3A_111, %swap3A_112] : memref<256x128xf32, #tpu.memory_space<vmem>>, vector<48x128xf32>
      tpu.vector_store %arg11[%swap3A_111, %swap3A_112], %add3A_110 {strides = array<i32>} : memref<256x128xf32, #tpu.memory_space<vmem>>, vector<48x128xf32>,
    } else {
    }
    %lt3A_10 = arith.constant 14 : i32
    %lt3A_11 = arith.cmpi slt, %arg0, %lt3A_10 : i32
    %convert_element_type3A_12 = arith.extui %lt3A_11 : i1 to i32
    %cond3A_13 = arith.constant 0 : i32
    %cond3A_14 = arith.cmpi ne, %convert_element_type3A_12, %cond3A_13 : i32
    scf.if %cond3A_14 {
      %get3A = arith.constant 0 : index
      %get3A_20 = arith.constant 0 : index
      %get3A_21 = arith.constant 0 : index
      %get3A_22 = vector.load %arg1[%get3A, %get3A_20, %get3A_21] : memref<384x16x224xf32, #tpu.memory_space<vmem>>, vector<384x16x224xf32>
      %convert_element_type3A_23 = arith.truncf %get3A_22 : vector<384x16x224xf32> to vector<384x16x224xbf16>
      %reshape3A = vector.shape_cast %convert_element_type3A_23 : vector<384x16x224xbf16> to vector<384x3584xbf16>
      %swap3A = arith.constant 0 : index
      %swap3A_24 = arith.constant 0 : index
      %swap3A_25 = arith.constant 0 : index
      %swap3A_26 = vector.load %arg6[%swap3A, %swap3A_24, %swap3A_25] : memref<1x384x3584xbf16, #tpu.memory_space<vmem>>, vector<1x384x3584xbf16>
      %swap3A_27 = vector.shape_cast %swap3A_26 : vector<1x384x3584xbf16> to vector<384x3584xbf16>
      %swap3A_28 = vector.shape_cast %reshape3A : vector<384x3584xbf16> to vector<1x384x3584xbf16>
      tpu.vector_store %arg6[%swap3A, %swap3A_24, %swap3A_25], %swap3A_28 {strides = array<i32>} : memref<1x384x3584xbf16, #tpu.memory_space<vmem>>, vector<1x384x3584xbf16>,
      %swap3A_29 = arith.constant 0 : index
      %swap3A_30 = arith.constant 0 : index
      %swap3A_31 = vector.load %arg12[%swap3A_29, %swap3A_30] : memref<384x3584xbf16, #tpu.memory_space<vmem>>, vector<384x3584xbf16>
      tpu.vector_store %arg12[%swap3A_29, %swap3A_30], %reshape3A {strides = array<i32>} : memref<384x3584xbf16, #tpu.memory_space<vmem>>, vector<384x3584xbf16>,
    } else {
    }
    %eq3A_15 = arith.constant 14 : i32
    %eq3A_16 = arith.cmpi eq, %arg0, %eq3A_15 : i32
    %convert_element_type3A_17 = arith.extui %eq3A_16 : i1 to i32
    %cond3A_18 = arith.constant 0 : i32
    %cond3A_19 = arith.cmpi ne, %convert_element_type3A_17, %cond3A_18 : i32
    scf.if %cond3A_19 {
      %get3A = arith.constant 0 : index
      %get3A_20 = arith.constant 0 : index
      %get3A_21 = vector.load %arg10[%get3A, %get3A_20] : memref<256x384xf32, #tpu.memory_space<vmem>>, vector<256x384xf32>
      %get3A_22 = arith.constant 0 : index
      %get3A_23 = arith.constant 0 : index
      %get3A_24 = vector.load %arg11[%get3A_22, %get3A_23] : memref<256x128xf32, #tpu.memory_space<vmem>>, vector<256x128xf32>
      %slice3A = vector.extract_strided_slice %get3A_24 {offsets = [0, 0], sizes = [256, 1], strides = [1, 1]} : vector<256x128xf32> to vector<256x1xf32>
      %add3A = arith.constant 1.000000e-16 : f32
      %add3A_25 = vector.broadcast %add3A : f32 to vector<256x1xf32>
      %add3A_26 = arith.addf %slice3A, %add3A_25 : vector<256x1xf32>
      %div3A = vector.broadcast %add3A_26 : vector<256x1xf32> to vector<256x384xf32>
      %div3A_27 = arith.divf %get3A_21, %div3A : vector<256x384xf32>
      %convert_element_type3A_28 = arith.truncf %div3A_27 : vector<256x384xf32> to vector<256x384xbf16>
      %get3A_29 = arith.constant 0 : index
      %get3A_30 = arith.constant 0 : index
      %get3A_31 = vector.load %arg4[%get3A_29, %get3A_30] : memref<384x384xf32, #tpu.memory_space<vmem>>, vector<384x384xf32>
      %convert_element_type3A_32 = arith.truncf %get3A_31 : vector<384x384xf32> to vector<384x384xbf16>
      %dot_general3A = arith.constant dense<0.000000e+00> : vector<256x384xf32>
      %dot_general3A_33 = tpu.matmul %convert_element_type3A_28, %convert_element_type3A_32, %dot_general3A {dimension_numbers = #tpu.dot_dimension_numbers<[1], [0], [0], [1], [0, 0, 1, 1], [], []>, transpose_lhs_hint = false} : vector<256x384xbf16>, vector<384x384xbf16>, vector<256x384xf32> -> vector<256x384xf32>
      %convert_element_type3A_34 = arith.truncf %dot_general3A_33 : vector<256x384xf32> to vector<256x384xbf16>
      %swap3A = arith.constant 0 : index
      %swap3A_35 = arith.constant 0 : index
      %swap3A_36 = vector.load %arg7[%swap3A, %swap3A_35] : memref<256x384xbf16, #tpu.memory_space<vmem>>, vector<256x384xbf16>
      tpu.vector_store %arg7[%swap3A, %swap3A_35], %convert_element_type3A_34 {strides = array<i32>} : memref<256x384xbf16, #tpu.memory_space<vmem>>, vector<256x384xbf16>,
      %get3A_37 = arith.constant 0 : index
      %get3A_38 = arith.constant 0 : index
      %get3A_39 = vector.load %arg5[%get3A_37, %get3A_38] : memref<384x384xf32, #tpu.memory_space<vmem>>, vector<384x384xf32>
      %convert_element_type3A_40 = arith.truncf %get3A_39 : vector<384x384xf32> to vector<384x384xbf16>
      %dot_general3A_41 = arith.constant dense<0.000000e+00> : vector<256x384xf32>
      %dot_general3A_42 = tpu.matmul %convert_element_type3A_28, %convert_element_type3A_40, %dot_general3A_41 {dimension_numbers = #tpu.dot_dimension_numbers<[1], [0], [0], [1], [0, 0, 1, 1], [], []>, transpose_lhs_hint = false} : vector<256x384xbf16>, vector<384x384xbf16>, vector<256x384xf32> -> vector<256x384xf32>
      %convert_element_type3A_43 = arith.truncf %dot_general3A_42 : vector<256x384xf32> to vector<256x384xbf16>
      %swap3A_44 = arith.constant 0 : index
      %swap3A_45 = arith.constant 0 : index
      %swap3A_46 = vector.load %arg8[%swap3A_44, %swap3A_45] : memref<256x384xbf16, #tpu.memory_space<vmem>>, vector<256x384xbf16>
      tpu.vector_store %arg8[%swap3A_44, %swap3A_45], %convert_element_type3A_43 {strides = array<i32>} : memref<256x384xbf16, #tpu.memory_space<vmem>>, vector<256x384xbf16>,
    } else {
    }
    return
  }
  func.func @transform_0(%arg0: i32) -> (i32, i32, i32) {
    %min3A = arith.constant 13 : i32
    %min3A_0 = arith.minsi %arg0, %min3A : i32
    %c0_i32 = arith.constant 0 : i32
    %c0_i32_1 = arith.constant 0 : i32
    %c0_i32_2 = arith.constant 0 : i32
    return %c0_i32, %min3A_0, %c0_i32_1 : i32, i32, i32
  }
  func.func @transform_1(%arg0: i32) -> (i32, i32) {
    %c0_i32 = arith.constant 0 : i32
    %c0_i32_0 = arith.constant 0 : i32
    %c0_i32_1 = arith.constant 0 : i32
    return %c0_i32, %c0_i32_0 : i32, i32
  }
  func.func @transform_2(%arg0: i32) -> (i32, i32) {
    %c0_i32 = arith.constant 0 : i32
    %c0_i32_0 = arith.constant 0 : i32
    %c0_i32_1 = arith.constant 0 : i32
    return %c0_i32, %c0_i32_0 : i32, i32
  }
  func.func @transform_3(%arg0: i32) -> (i32, i32) {
    %c0_i32 = arith.constant 0 : i32
    %c0_i32_0 = arith.constant 0 : i32
    %c0_i32_1 = arith.constant 0 : i32
    return %c0_i32, %c0_i32_0 : i32, i32
  }
  func.func @transform_4(%arg0: i32) -> (i32, i32) {
    %c0_i32 = arith.constant 0 : i32
    %c0_i32_0 = arith.constant 0 : i32
    %c0_i32_1 = arith.constant 0 : i32
    return %c0_i32, %c0_i32_0 : i32, i32
  }
  func.func @transform_5(%arg0: i32) -> (i32, i32, i32) {
    %min3A = arith.constant 13 : i32
    %min3A_0 = arith.minsi %arg0, %min3A : i32
    %c0_i32 = arith.constant 0 : i32
    %c0_i32_1 = arith.constant 0 : i32
    %c0_i32_2 = arith.constant 0 : i32
    return %min3A_0, %c0_i32, %c0_i32_1 : i32, i32, i32
  }
  func.func @transform_6(%arg0: i32) -> (i32, i32) {
    %c0_i32 = arith.constant 0 : i32
    %c0_i32_0 = arith.constant 0 : i32
    %c0_i32_1 = arith.constant 0 : i32
    return %c0_i32, %c0_i32_0 : i32, i32
  }
  func.func @transform_7(%arg0: i32) -> (i32, i32) {
    %c0_i32 = arith.constant 0 : i32
    %c0_i32_0 = arith.constant 0 : i32
    %c0_i32_1 = arith.constant 0 : i32
    return %c0_i32, %c0_i32_0 : i32, i32
  }
}

</mosaic_0001>

<sc_bundles>
// kernel: sparse-core-data-format-call.cloned.1.call-start
scs
called_computation_lowered:
.L_overlay_start_0:
0x0: {  	s2 =	sld [smem:$0x3FD9]  }
0x1: {  	s3 =	sld [smem:$0x3FFE];
	_ =	sdelay $0x1  }
0x2: {  	s1 =	srdreg.scid  }
0x3: {  	s0 =	sand.u32 $0x1, s1  }
0x4: {  	s18 =	sshll.u32 s0, $0xA;
	s2 =	sadd.s32 s3, s2  }
0x5: {  	s2 =	sadd.s32 s2, s18  }
0x6: {  	[smem:$0x3FC3] =	sst s2  }
0x7: {  	_ = 	snop  }
0x8: {  	s2 =	sld [smem:$0x3FD0];
	(tm) =	ssettm $0x1  }
0x9: {  	s19 =	sld [smem:$0x3FFB];
	_ =	sdelay $0x3  }
0xa: {  	_ =	strace s19  }
0xb: {  	s3 =	sld [smem:$0x3FFC];
	_ =	sdelay $0x3  }
0xc: {  	_ =	strace s3  }
0xd: {  	s3 =	sld [smem:$0x3FFD];
	_ =	sdelay $0x3  }
0xe: {  	_ =	strace s3  }
0xf: {  	_ =	strace $0x8FFFFFFF  }
0x10: {  	s20 =	sld [smem:$0x3FDB];
	_ =	sdelay $0x1  }
0x11: {  	s4 =	simm.s32 $_scs_section_size  }
0x12: {  	s5 =	simm.s32 $_size__tile_overlayer_lowered;
	s6 =	simm.s32 $_tile_overlayer_lowered  }
0x13: {  	s23 =	simm.s32 $0x1BFF;
	s22 =	sshll.u32 s6, $0x1;
	s3 =	sadd.s32 s4, s20  }
0x14: {  	s7 =	simm.s32 $0x0;
	s21 =	sshll.u32 s5, $0x1;
	s5 =	sadd.s32 s22, s3  }
0x15: {  	[timem:s7], [sflag:s23] =	dma.local [hbm:s5], s21  }
0x16: {  	_ =	swait.ge [sflag:s23], s21  }
0x17: {  	s4 =	ssub.s32 $0x0, s21;
	[sflag:s23] =	ssyncset.done $0x0  }
0x18: {  	[sflag:s23] =	ssyncadd.s32 s4;
	_ =	sdelay $0x1  }
0x19: {  	s24 =	simm.s32 $0x1B8B  }
0x1a: {  	_ =	swait.ge [sflag:s24], $0x1  }
0x1b: {  	[sflag:s24] =	ssyncset.done $0x0  }
0x1c: {  	s26 =	simm.s32 $0x1B8E;
	s25 =	sld [smem:$0x3FFE];
	[sflag:s24] =	ssyncadd.s32 $0xFFFFFFFF  }
0x1d: {  	s27 =	simm.s32 $execute0_lowered;
	[smem:$0x3FD2] =	sst s26  }
0x1e: {  	s5 =	sshll.u32 s27, $0x1;
	_ =	strace $0x80000046;
	[dreg:$0x1] =	wrdreg $0xFFFFFFFF  }
0x1f: {  	s28 =	simm.s32 $_size_execute0_lowered;
	s3 =	sadd.s32 s3, s5;
	[dreg:$0x0] =	wrdreg $0x0  }
0x20: {  	s5 =	sshll.u32 s28, $0x1;
	[dreg:$0x2] =	wrdreg s3  }
0x21: {  	[dreg:$0x3] =	wrdreg s5  }
0x22: {  	[dreg:$0x4] =	wrdreg $0xC0  }
0x23: {  	_ =	task [dreg:s7], $0x5FFFF  }
0x24: {  	[dreg:$0x1] =	wrdreg $0xFFFFFFFF  }
0x25: {  	[dreg:$0x0] =	wrdreg $0x60  }
0x26: {  	[dreg:$0x2] =	wrdreg s25  }
0x27: {  	[dreg:$0x3] =	wrdreg s2  }
0x28: {  	[dreg:$0x4] =	wrdreg $0x9  }
0x29: {  	_ =	task.clear_ibuf [dreg:s7], $0x5FFFF;
	_ =	strace $0x90000046  }
0x2a: {  	s29 =	simm.s32 $0x9;
	_ =	strace $0x80000048  }
0x2b: {  	_ =	swait.ge [sflag:s29], $0x1  }
0x2c: {  	[sflag:s29] =	ssyncadd.s32 $0xFFFFFFFF  }
0x2d: {  	_ =	strace $0x90000048  }
0x2e: {  	_ =	sfence  }
0x2f: {  	s30 =	sld [smem:$0x0];
	_ =	sdelay $0x2  }
0x30: {  	s31 =	sshll.u32 s1, $0xD;
	s1 =	sshrl.u32 s1, $0x2  }
0x31: {  	s3 =	sand.u32 $0x4000, s31;
	s1 =	sadd.s32 s1, s30  }
0x32: {  	s0 =	sor.u32 s3, s0;
	s1 =	sshll.u32 s1, $0x11  }
0x33: {  	s0 =	sor.u32 s1, s0  }
0x34: {  	s0 =	sadd.s32 $0x8F2B, s0  }
0x35: {  	[sflag:s0] =	ssyncadd.remote.s32 $0x1  }
0x36: {  	_ =	sfence.sel $0xFFFF  }
0x37: {  	[dreg:$0x0] =	wrdreg $0xFFFFFFFF;
	(pc) =	sbr.abs _section_cstart, $3  }
0x38: {  	[dreg:$0x1] =	wrdreg $0xFFFFFFFF  }
0x39: {  	_ =	task.clear_ibuf [dreg:s7], $0x2FFFF;
	_ =	strace $0x9FFFFFFF  }
0x3a: {  	(tm) =	ssettm $0x7FFFFFFF  }
0x3b: {  	_ =	shalt  }
tec
execute0_lowered:
.L_overlay_start_1:
0x0: {  	(tag) =	ssettag $0x1  }
0x1: {  	s1 =	rddreg [dreg:$0x0]  }
0x2: {  	s2 =	rddreg [dreg:$0x1]  }
0x3: {  	s0 =	rddreg [dreg:$0x2]  }
0x4: {  	s4 =	srdreg.scid;
	_ =	strace $0x80000047;
	s6 =	simm.s32 $0x2  }
0x5: {  	s14 =	simm.s32 $0x0;
	p0 =	por $0x0, $0x0;
	s16 =	simm.s32 $0x0  }
0x6: {  	s15 =	simm.s32 $0x0;
	s7 =	simm.s32 $0x0;
	s9 =	simm.s32 $0x0  }
.Ltmp0:
0x7: {  	s10 =	simm.s32 $0x0;
	s11 =	simm.s32 $0x0;
	(pc) =	sbr.rel .LBB1_1-.Ltmp0, $4  }
0x8: {  	s13 =	simm.s32 $0x0;
	s3 =	sadd.s32 $0xE00, s1;
	s4 =	sshll.u32 s4, $0x4  }
0x9: {  	s1 =	stileid.u32;
	s5 =	sand.u32 $0x10, s4;
	s4 =	simm.s32 $0x1  }
0xa: {  	s8 =	simm.s32 $0x0;
	s5 =	sor.u32 s1, s5;
	[sflag:s4] =	ssyncpa.u1 $0x0  }
0xb: {  	[sflag:s6] =	ssyncpa.u1 $0x0;
	s6 =	simm.s32 $0xC00;
	s12 =	smov.u32 s5  }
.LBB1_5:
0xc: {  	p1 =	slt.u32 s8, $0x2  }
0xd: {  	p2 =	sgt.s32 @!p1 s16, $0xDF  }
0xe: {  	s17 =	smov.u32 s16;
	s18 =	sshra.s32 @!p1 s16, $0x1F;
	p2 =	por !p2, p1  }
0xf: {  	s16 =	sand.u32 @!p1 s18, s16;
	s17 =	simm.s32 @p2 $0xDF  }
0x10: {  	p3 =	sgt.s32 @!p1 s15, $0x100;
	s16 =	ssub.s32 @!p1 s17, s16  }
0x11: {  	p3 =	por !p3, p1;
	s18 =	sshra.s32 @!p1 s15, $0x1F;
	s17 =	sadd.s32 @!p1 $0xFFFFFF21, s16  }
0x12: {  	s16 =	ssub.s32 @!p1 $0xE0, s16;
	p2 =	sgt.s32 @!p1 s17, $0x0;
	s17 =	smov.u32 s15  }
0x13: {  	s15 =	sand.u32 @!p1 s18, s15;
	s17 =	simm.s32 @p3 $0x100;
	p3 =	sgt.s32 @!p1 s14, $0x60  }
0x14: {  	s18 =	smov.u32 s14;
	p2 =	por !p2, p1;
	p3 =	por !p3, p1  }
0x15: {  	s15 =	ssub.s32 @!p1 s17, s15;
	s17 =	sshra.s32 @!p1 s14, $0x1F;
	s16 =	simm.s32 @!p2 $0x0  }
0x16: {  	s18 =	simm.s32 @p3 $0x60;
	s14 =	sand.u32 @!p1 s17, s14;
	s17 =	sadd.s32 @!p1 $0xFFFFFF00, s15  }
0x17: {  	s15 =	ssub.s32 @!p1 $0x180, s15;
	s14 =	ssub.s32 @!p1 s18, s14;
	p2 =	sgt.s32 @!p1 s17, $0x7F  }
0x18: {  	s18 =	smov.u32 s12;
	s17 =	sadd.s32 @!p1 $0xFFFFFFA0, s14;
	p2 =	por !p2, p1  }
0x19: {  	s14 =	ssub.s32 @!p1 $0xE0, s14;
	p3 =	sgt.s32 @!p1 s17, $0x7F;
	s15 =	simm.s32 @!p2 $0x0  }
0x1a: {  	s17 =	sadd.s32 $0x80, s11;
	p2 =	por !p3, p1;
	s15 =	smul.u32 @!p1 s15, s16  }
0x1b: {  	s16 =	sadd.s32 $0x20, s12;
	s14 =	simm.s32 @!p2 $0x0;
	p2 =	sgt.s32 s17, $0xDF  }
0x1c: {  	s19 =	smov.u32 s13;
	s18 =	smov.u32 @p2 s16  }
0x1d: {  	s14 =	smul.u32 @!p1 s14, s15;
	s15 =	sadd.s32 $0x80, s13;
	p3 =	sgt.s32 s18, $0xDF  }
0x1e: {  	s8 =	sadd.s32 $0x1, s8;
	p0 =	por !p0, !p0;
	s19 =	smov.u32 @p3 s15  }
0x1f: {  	s20 =	simm.s32 @!p1 $0x2;
	s17 =	simm.s32 @p2 $0x0;
	p2 =	sgt.s32 s19, $0x17F  }
0x20: {  	s16 =	smov.u32 s9;
	s19 =	simm.s32 @p2 $0x0;
	p2 =	sne.s32 s8, $0x2C  }
.Ltmp1:
0x21: {  	s9 =	smov.u32 s12;
	s14 =	sand.u32 @!p1 $0x3FFFFFFF, s14;
	(pc) =	sbr.rel @!p2 .LBB1_6-.Ltmp1, $4  }
0x22: {  	s18 =	smov.u32 @p3 s5;
	s15 =	smov.u32 s10;
	s10 =	smov.u32 s13  }
0x23: {  	_ =	swait.ge @!p1 [sflag:s20], s14;
	s21 =	ssub.s32 @!p1 $0x0, s14;
	s14 =	smov.u32 s7  }
0x24: {  	s7 =	smov.u32 s11;
	s11 =	smov.u32 s17;
	[sflag:s20] =	ssyncset.done @!p1 $0x0  }
0x25: {  	s12 =	smov.u32 s18;
	[sflag:s20] =	ssyncadd.s32 @!p1 s21;
	s13 =	smov.u32 s19  }
.LBB1_1:
0x26: {  	p1 =	sgt.u32 s8, $0x29  }
0x27: {  	s17 =	sshll.u32 @!p1 s12, $0x8;
	s18 =	sshll.u32 @!p1 s11, $0x3  }
0x28: {  	s19 =	sshll.u32 @!p1 s12, $0x7;
	s17 =	sand.u32 @!p1 $0xFFFFF800, s17;
	s18 =	sand.u32 @!p1 $0xFFFFFC00, s18  }
0x29: {  	s17 =	sadd.s32 @!p1 s17, s18;
	s18 =	sand.u32 @!p1 $0x300, s19  }
0x2a: {  	s17 =	sor.u32 @!p1 s18, s17  }
0x2b: {  	s17 =	sshrl.u32 @!p1 s17, $0x8  }
0x2c: {  	s18 =	smulhi.u32 @!p1 $0x124924A, s17  }
0x2d: {  	s20 =	sxor.u32 @!p1 $0xFFFFFFFF, s8;
	s21 =	sand.u32 @!p1 $0x78, s11;
	s22 =	smul.u32 @!p1 $0x1C00, s13  }
0x2e: {  	s20 =	sshll.u32 @!p1 s20, $0xE;
	s19 =	sand.u32 @!p1 $0x80, s19;
	s18 =	smul.u32 @!p1 $0xE0, s18  }
0x2f: {  	s20 =	sand.u32 @!p1 $0x4000, s20;
	s19 =	sor.u32 @!p1 s21, s19;
	s21 =	sand.u32 @!p1 $0x7, s11  }
0x30: {  	s17 =	ssub.s32 @!p1 s17, s18;
	s18 =	sshrl.u32 @!p1 s19, $0x3;
	s19 =	sadd.s32 @!p1 s3, s22  }
0x31: {  	s17 =	sshll.u32 @!p1 s17, $0x5;
	s18 =	sadd.s32 @!p1 s18, s19;
	s19 =	sshll.u32 @!p1 s21, $0x12  }
0x32: {  	s17 =	sadd.s32 @!p1 s17, s18;
	s18 =	sor.u32 @!p1 $0x80, s19;
	s19 =	simm.s32 @!p1 $0xE000  }
0x33: {  	[tilespmem:s20], [sflag:$0x1] =	stream.strided.gather @!p1 [hbm4b:s17+s18], $0x4000, s19, s18, $0x38;
	[tilespmem:$0x10100] =	vst v63  }
0x34: {  	p1 =	seq.s32 s8, $0x0  }
0x35: {  	p2 =	seq.s32 @!p1 s8, $0x2B  }
0x36: {  	p1 =	por p1, p2  }
.Ltmp2:
0x37: {  	_ = 	snop;
	(pc) =	sbr.rel @p1 .LBB1_5-.Ltmp2, $1  }
0x38: {  	_ =	sdelay $0x3  }
0x39: {  	s17 =	simm.s32 $0x1  }
0x3a: {  	_ =	swait.ge [sflag:s4], $0x4000;
	s17 =	simm.s32 @!p0 $0x0  }
0x3b: {  	[sflag:s4] =	ssyncset.done $0x0;
	s18 =	sshll.u32 s17, $0xE  }
0x3c: {  	[sflag:s4] =	ssyncadd.s32 $0xFFFFC000;
	s18 =	sor.u32 $0x40, s18  }
0x3d: {  	s17 =	smul.u32 $0x10200, s17;
	v0 =	vld [tilespmem:s18+$0x30]  }
0x3e: {  	v1 =	vld [tilespmem:s18+$0xFFFFFFD0]  }
0x3f: {  	s17 =	sshrl.u32 s17, $0x2;
	v5 =	vld [tilespmem:s18+$0xFFFFFFE0]  }
0x40: {  	v6 =	vld [tilespmem:s18+$0xFFFFFFF0];
	s20 =	sor.u32 $0x8000, s17  }
0x41: {  	s31 =	sand.u32 $0x1, s8;
	v4 =	vld [tilespmem:s18+$0x0];
	s19 =	sadd.s32 $0x0, s20  }
0x42: {  	v3 =	vld [tilespmem:s18+$0x10];
	s17 =	smul.u32 $0x10200, s31;
	[tilespmem:s19+$0x3870 ss:$0x81] =	vst.msk $0xffff, v0  }
0x43: {  	v2 =	vld [tilespmem:s18+$0x20];
	[tilespmem:s19+$0x810 ss:$0x81] =	vst.msk $0xffff, v1  }
0x44: {  	s17 =	sshrl.u32 s17, $0x2;
	v1 =	vld [tilespmem:s18+$0xFFFFFFC0];
	[tilespmem:s19+$0x1020 ss:$0x81] =	vst.msk $0xffff, v5;
	s18 =	sadd.s32 $0x80, s18  }
0x45: {  	s21 =	simm.s32 $0x4;
	s22 =	simm.s32 $0x8;
	s17 =	sor.u32 $0x8000, s17;
	[tilespmem:s19+$0x1830 ss:$0x81] =	vst.msk $0xffff, v6;
	v0 =	vld [tilespmem:s18+$0x30]  }
.LBB1_3:
0x46: {  	p1 =	sne.s32 s22, $0x1FC;
	v5 =	vld [tilespmem:s18+$0xFFFFFFD0];
	[tilespmem:s19+$0x2040 ss:$0x81] =	vst.msk $0xffff, v4  }
0x47: {  	v6 =	vld [tilespmem:s18+$0xFFFFFFE0];
	[tilespmem:s19+$0x2850 ss:$0x81] =	vst.msk $0xffff, v3  }
0x48: {  	s23 =	sshra.s32 s21, $0x2;
	s21 =	smov.u32 s22;
	v7 =	vld [tilespmem:s18+$0xFFFFFFF0];
	[tilespmem:s19+$0x3060 ss:$0x81] =	vst.msk $0xffff, v2  }
.Ltmp3:
0x49: {  	v4 =	vld [tilespmem:s18+$0x0];
	[tilespmem:s19+$0x0 ss:$0x81] =	vst.msk $0xffff, v1;
	s19 =	sadd.s32 s23, s20;
	(pc) =	sbr.rel @p1 .LBB1_3-.Ltmp3, $4  }
0x4a: {  	v3 =	vld [tilespmem:s18+$0x10];
	[tilespmem:s19+$0x3870 ss:$0x81] =	vst.msk $0xffff, v0  }
0x4b: {  	[tilespmem:s19+$0x810 ss:$0x81] =	vst.msk $0xffff, v5;
	v2 =	vld [tilespmem:s18+$0x20]  }
0x4c: {  	v1 =	vld [tilespmem:s18+$0xFFFFFFC0];
	[tilespmem:s19+$0x1020 ss:$0x81] =	vst.msk $0xffff, v6;
	s18 =	sadd.s32 $0x80, s18  }
0x4d: {  	s22 =	sadd.s32 $0x4, s22;
	v0 =	vld [tilespmem:s18+$0x30];
	[tilespmem:s19+$0x1830 ss:$0x81] =	vst.msk $0xffff, v7  }
0x4e: {  	s22 =	sshrl.u32 s7, $0x3  }
0x4f: {  	s23 =	sshll.u32 s10, $0x3;
	s24 =	sshll.u32 s7, $0x7;
	s22 =	smul.u32 $0xC00, s22  }
0x50: {  	s28 =	sand.u32 $0x7F, s10;
	s21 =	sshra.s32 s21, $0x2;
	s23 =	sand.u32 $0xFFFFFC00, s23  }
0x51: {  	p1 =	sgt.s32 s9, $0xDF;
	s27 =	sand.u32 $0x380, s24;
	s22 =	sadd.s32 s23, s22  }
0x52: {  	s25 =	sshra.s32 s9, $0x1F;
	[tilespmem:s19+$0x2040 ss:$0x81] =	vst.msk $0xffff, v4;
	s31 =	sshra.s32 s7, $0x1F;
	s22 =	sor.u32 s27, s22  }
0x53: {  	s20 =	sadd.s32 s21, s20;
	[tilespmem:s19+$0x2850 ss:$0x81] =	vst.msk $0xffff, v3;
	s23 =	sor.u32 s28, s22;
	s22 =	smulhi.u32 $0xAAAAAAAB, s22  }
0x54: {  	s25 =	sand.u32 s25, s9;
	[tilespmem:s19+$0x3060 ss:$0x81] =	vst.msk $0xffff, v2;
	s27 =	sshra.s32 s10, $0x1F;
	s24 =	smulhi.u32 $0xAAAAAAAB, s23  }
0x55: {  	[tilespmem:s19+$0x0 ss:$0x81] =	vst.msk $0xffff, v1;
	s19 =	sand.u32 s31, s7;
	s27 =	sand.u32 s27, s10;
	s22 =	sshrl.u32 s22, $0x8  }
0x56: {  	s29 =	sshrl.u32 s24, $0x8;
	s24 =	smov.u32 s9;
	s26 =	smulhi.u32 $0x124924A, s22  }
0x57: {  	s24 =	simm.s32 @!p1 $0xDF;
	p1 =	sgt.s32 s10, $0x100;
	s21 =	smul.u32 $0x180, s29  }
0x58: {  	v5 =	vld [tilespmem:s18+$0xFFFFFFD0];
	s24 =	ssub.s32 s24, s25;
	s25 =	smov.u32 s10;
	s26 =	smul.u32 $0xE0, s26  }
0x59: {  	v58 =	vld [tilespmem:s18+$0xFFFFFFE0];
	s28 =	sadd.s32 $0xFFFFFF21, s24;
	s25 =	simm.s32 @!p1 $0x100;
	s24 =	ssub.s32 $0xE0, s24  }
0x5a: {  	v59 =	vld [tilespmem:s18+$0xFFFFFFF0];
	p1 =	sgt.s32 s28, $0x0;
	s25 =	ssub.s32 s25, s27;
	s27 =	smov.u32 s7  }
0x5b: {  	v60 =	vld [tilespmem:s18+$0x0];
	s22 =	ssub.s32 s22, s26;
	s24 =	simm.s32 @p1 $0x0;
	p1 =	sgt.s32 s7, $0x60  }
0x5c: {  	v61 =	vld [tilespmem:s18+$0x10];
	[tilespmem:s20+$0x3870 ss:$0x81] =	vst.msk $0xffff, v0;
	s28 =	smul.u32 $0x2A00, s9;
	s30 =	sadd.s32 $0xFFFFFF00, s25;
	s27 =	simm.s32 @!p1 $0x60  }
0x5d: {  	v62 =	vld [tilespmem:s18+$0x20];
	[tilespmem:s20+$0x810 ss:$0x81] =	vst.msk $0xffff, v5;
	s25 =	ssub.s32 $0x180, s25;
	p1 =	sgt.s32 s30, $0x7F;
	s19 =	ssub.s32 s27, s19  }
0x5e: {  	v63 =	vld [tilespmem:s18+$0xFFFFFFC0];
	[tilespmem:s20+$0x1020 ss:$0x81] =	vst.msk $0xffff, v58;
	s18 =	smul.u32 $0x30, s22;
	s25 =	simm.s32 @p1 $0x0;
	s27 =	sadd.s32 $0xFFFFFFA0, s19  }
0x5f: {  	[tilespmem:s20+$0x1830 ss:$0x81] =	vst.msk $0xffff, v59;
	s26 =	smul.u32 s25, s24;
	s19 =	ssub.s32 $0xE0, s19;
	p1 =	sgt.s32 s27, $0x7F  }
.Ltmp4:
0x60: {  	[tilespmem:s20+$0x2040 ss:$0x81] =	vst.msk $0xffff, v60;
	s21 =	ssub.s32 s23, s21;
	s19 =	simm.s32 @p1 $0x0;
	(pc) =	sbr.rel .LBB1_5-.Ltmp4, $4  }
0x61: {  	[tilespmem:s20+$0x2850 ss:$0x81] =	vst.msk $0xffff, v61;
	s23 =	sand.u32 $0x7, s21;
	s29 =	sadd.s32 s2, s28;
	s19 =	smul.u32 s19, s26  }
0x62: {  	[tilespmem:s20+$0x3060 ss:$0x81] =	vst.msk $0xffff, v62;
	s21 =	sshrl.u32 s21, $0x3;
	s30 =	sshll.u32 s23, $0x12;
	s18 =	sadd.s32 s18, s29  }
0x63: {  	[tilespmem:s20+$0x0 ss:$0x81] =	vst.msk $0xffff, v63;
	s31 =	sor.u32 $0x400, s30;
	s18 =	sadd.s32 s21, s18;
	s19 =	sand.u32 $0x3FFFFFFF, s19  }
0x64: {  	[hbm4b:s18+s31] =	stream.strided.scatter [tilespmem:s17], [sflag:$0x2], s19, s6, s31, $0x20;
	[tilespmem:$0x10100] =	vst v63  }
.LBB1_6:
0x65: {  	_ =	sfence.sel $0x180000  }
0x66: {  	s2 =	simm.s32 $0x1;
	[bflag:$0x0] =	sbarrier.arrive $0xFFFF  }
0x67: {  	s31 =	simm.s32 $0x2;
	[sflag:s2] =	ssyncpa.u1 $0x1  }
0x68: {  	[sflag:s31] =	ssyncpa.u1 $0x1  }
0x69: {  	p0 =	sne.s32 s1, $0x0;
	_ =	strace $0x90000047  }
0x6a: {  	s0 =	sadd.s32 @!p0 $0x100000, s0;
	[bflag:$0x2] =	sbarrier.arrive $0xFFFF  }
0x6b: {  	[sflag:s0] =	ssyncadd.tile.s32 @!p0 $0x1;
	_ =	shalt  }
.Lfunc_end1:
_tile_overlayer_lowered:
.L_overlay_start_2:
0x6c: {  	(tag) =	ssettag $0x2  }
0x6d: {  	s0 =	rddreg [dreg:$0x0];
	s2 =	stileid.u32  }
0x6e: {  	s1 =	rddreg [dreg:$0x1];
	p0 =	sne.s32 s2, $0x0  }
0x6f: {  	s3 =	rddreg [dreg:$0x2];
	[bflag:$0x3] =	sbarrier.arrive $0xFFFF;
	s2 =	simm.s32 @!p0 $0x1C01  }
0x70: {  	[timem:s3], [sflag:s2] =	dma.local @!p0 [hbm:s0], s1  }
0x71: {  	s0 =	simm.s32 @!p0 $0x1  }
0x72: {  	_ =	swait.ge @!p0 [sflag:s0], s1  }
0x73: {  	s1 =	ssub.s32 @!p0 $0x0, s1;
	[sflag:s0] =	ssyncset.done @!p0 $0x0  }
0x74: {  	[sflag:s0] =	ssyncadd.s32 @!p0 s1  }
0x75: {  	[bflag:$0x3] =	sbarrier.arrive $0xFFFF  }
0x76: {  	_ =	shalt  }

</sc_bundles>
